<compile_context>
chip_gen: v7x
topology: tpu7x:2x2x1
jax: 0.10.2.dev20260603
libtpu: 0.0.44.dev20260713+nightly
codegen_flags: <defaults>
</compile_context>

<pallas_src>
import functools

import jax
import jax.numpy as jnp
from jax import lax
from jax.experimental import pallas as pl
from jax.experimental.pallas import tpu as pltpu
from jax.experimental.pallas import tpu_sc as plsc

VOCAB = 8192
DIM = 8192
HALF = DIM // 2
NLOOKUP = 8192
NWORKER = 32
BPW = NLOOKUP // NWORKER
CHUNK = 8
NSTEP = 2 * (BPW // CHUNK)

_mesh = plsc.VectorSubcoreMesh(core_axis_name="c", subcore_axis_name="s")


@functools.partial(
    pl.kernel,
    mesh=_mesh,
    out_type=jax.ShapeDtypeStruct((NLOOKUP, DIM), jnp.float32),
    scratch_types=[
        pltpu.VMEM((BPW,), jnp.int32),
        pltpu.VMEM((CHUNK, HALF), jnp.float32),
        pltpu.VMEM((CHUNK, HALF), jnp.float32),
        pltpu.SemaphoreType.DMA,
        pltpu.SemaphoreType.DMA,
        pltpu.SemaphoreType.DMA,
        pltpu.SemaphoreType.DMA,
    ],
)
def _gather(idx_hbm, table_hbm, out_hbm, idx_v, buf0, buf1,
            gsem0, gsem1, osem0, osem1):
    wid = lax.axis_index("s") * 2 + lax.axis_index("c")
    base = wid * BPW
    pltpu.sync_copy(idx_hbm.at[pl.ds(base, BPW)], idx_v)

    bufs = (buf0, buf1)
    gsems = (gsem0, gsem1)
    osems = (osem0, osem1)

    def start_gather(s, b):
        c = s // 2
        h = s % 2
        pltpu.async_copy(
            table_hbm.at[idx_v.at[pl.ds(c * CHUNK, CHUNK)],
                         pl.ds(h * HALF, HALF)],
            bufs[b], gsems[b],
        )

    def start_out(s, b):
        c = s // 2
        h = s % 2
        pltpu.async_copy(
            bufs[b],
            out_hbm.at[pl.ds(base + c * CHUNK, CHUNK), pl.ds(h * HALF, HALF)],
            osems[b],
        )

    def wait(sem):
        pltpu.make_async_copy(
            out_hbm.at[pl.ds(0, CHUNK), pl.ds(0, HALF)], bufs[0], sem
        ).wait()

    start_gather(0, 0)
    start_gather(1, 1)

    def body(k, carry):
        for b in range(2):
            s = 2 * k + b
            wait(gsems[b])
            start_out(s, b)
            wait(osems[b])
            start_gather(s + 2, b)
        return carry

    lax.fori_loop(0, NSTEP // 2 - 1, body, 0)

    for b in range(2):
        s = NSTEP - 2 + b
        wait(gsems[b])
        start_out(s, b)
        wait(osems[b])


def kernel(idx, table):
    flat_idx = idx.reshape(-1).astype(jnp.int32)
    out = _gather(flat_idx, table)
    return out.reshape(idx.shape[0], idx.shape[1], DIM)

# --- scband reference (transcript-rebuilt; emitter-appended) ---
"""Pipeline reference for scband-bigram-language-model-1400159338602 (READ-ONLY COPY).

The authoritative reference and input builder live on the scoring server;
editing this copy changes nothing except your own understanding.
"""

import jax, jax.numpy as jnp
import numpy as np

VOCAB = 8192
BATCH = 1024
BLOCK = 8

def setup_inputs(seed: int = 0) -> dict:
    key = jax.random.key(seed)
    k_idx, k_tab = jax.random.split(key)
    idx = jax.random.randint(k_idx, (BATCH, BLOCK), 0, VOCAB, dtype=jnp.int64 if jax.config.jax_enable_x64 else jnp.int32)
    limit = 1.0 / np.sqrt(VOCAB)
    table = (jax.random.uniform(k_tab, (VOCAB, VOCAB), dtype=jnp.float32) * 2.0 - 1.0) * limit
    return {"idx": idx, "table": table}

def reference(idx, table):
    # BigramLanguageModel.forward with targets=None:
    #   logits = self.embedding_param[idx]
    logits = jnp.take(table, idx, axis=0)
    return logits

if __name__ == "__main__":
    import jax
    _d = setup_inputs()
    print(jax.jit(kernel)(*tuple(_d.values())))

</pallas_src>

<mosaic_0001>
#map = affine_map<(d0, d1) -> (0)>
#map1 = affine_map<(d0, d1) -> (0, 0)>
module attributes {stable_mosaic.version = 14 : i64} {
  func.func @_gather(%arg0: i32, %arg1: i32, %arg2: memref<8192xi32, #tpu.memory_space<hbm>>, %arg3: memref<8192x8192xf32, #tpu.memory_space<hbm>>, %arg4: memref<8192x8192xf32, #tpu.memory_space<hbm>>, %arg5: memref<256xi32, #tpu.memory_space<vmem>>, %arg6: memref<8x4096xf32, #tpu.memory_space<vmem>>, %arg7: memref<8x4096xf32, #tpu.memory_space<vmem>>, %arg8: memref<!tpu.dma_semaphore, #tpu.memory_space<semaphore_mem>>, %arg9: memref<!tpu.dma_semaphore, #tpu.memory_space<semaphore_mem>>, %arg10: memref<!tpu.dma_semaphore, #tpu.memory_space<semaphore_mem>>, %arg11: memref<!tpu.dma_semaphore, #tpu.memory_space<semaphore_mem>>) attributes {dimension_semantics = [#tpu.dimension_semantics<core_parallel>, #tpu.dimension_semantics<subcore_parallel>], iteration_bounds = array<i64: 2, 16>, scalar_prefetch = 0 : i64, scratch_operands = 7 : i64, tpu.core_type = #tpu.core_type<sc_vector_subcore>, window_params = [{transform_indices = #map}, {transform_indices = #map1}, {transform_indices = #map1}]} {
    %mul3A = arith.constant 2 : i32
    %mul3A_0 = arith.muli %arg1, %mul3A : i32
    %add3A = arith.addi %mul3A_0, %arg0 : i32
    %mul3A_1 = arith.constant 256 : i32
    %mul3A_2 = arith.muli %add3A, %mul3A_1 : i32
    "tpu.region"() ({
      %run_scoped3A = tpu.sem_alloc : memref<!tpu.dma_semaphore, #tpu.memory_space<semaphore_mem>>
      %dma_start3A_52 = tpu.memref_slice %arg2[%mul3A_2] : memref<8192xi32, #tpu.memory_space<hbm>> -> memref<256xi32, #tpu.memory_space<hbm>>
      %dma_start3A_53 = tpu.memref_slice %arg2[%mul3A_2] : memref<8192xi32, #tpu.memory_space<hbm>> -> memref<256xi32, #tpu.memory_space<hbm>>
      tpu.enqueue_dma source(%dma_start3A_53 : memref<256xi32, #tpu.memory_space<hbm>>) target(%arg5 : memref<256xi32, #tpu.memory_space<vmem>>) target_semaphore(%run_scoped3A : memref<!tpu.dma_semaphore, #tpu.memory_space<semaphore_mem>>)
      %dma_wait3A_54 = tpu.memref_slice %arg2[%mul3A_2] : memref<8192xi32, #tpu.memory_space<hbm>> -> memref<256xi32, #tpu.memory_space<hbm>>
      %dma_wait3A_55 = tpu.memref_slice %arg2[%mul3A_2] : memref<8192xi32, #tpu.memory_space<hbm>> -> memref<256xi32, #tpu.memory_space<hbm>>
      tpu.wait_dma2 semaphore(%run_scoped3A : memref<!tpu.dma_semaphore, #tpu.memory_space<semaphore_mem>>) src(%dma_wait3A_55 : memref<256xi32, #tpu.memory_space<hbm>>) dst(%arg5 : memref<256xi32, #tpu.memory_space<vmem>>)
      tpu.yield
    }) : () -> ()
    %dma_start3A = arith.constant 0 : i32
    %dma_start3A_3 = tpu.memref_slice %arg5[%dma_start3A] : memref<256xi32, #tpu.memory_space<vmem>> -> memref<8xi32, #tpu.memory_space<vmem>>
    %dma_start3A_4 = arith.constant 0 : i32
    %dma_start3A_5 = arith.constant 0 : i32
    %dma_start3A_6 = tpu.memref_slice %arg3[%dma_start3A_4, %dma_start3A_5] : memref<8192x8192xf32, #tpu.memory_space<hbm>> -> memref<8192x4096xf32, #tpu.memory_space<hbm>>
    tpu.enqueue_indirect_dma source(%dma_start3A_6 : memref<8192x4096xf32, #tpu.memory_space<hbm>>) target(%arg6 : memref<8x4096xf32, #tpu.memory_space<vmem>>) offsets(%dma_start3A_3 : memref<8xi32, #tpu.memory_space<vmem>>) semaphore(%arg8 : memref<!tpu.dma_semaphore, #tpu.memory_space<semaphore_mem>>)
    %dma_start3A_7 = arith.constant 0 : i32
    %dma_start3A_8 = tpu.memref_slice %arg5[%dma_start3A_7] : memref<256xi32, #tpu.memory_space<vmem>> -> memref<8xi32, #tpu.memory_space<vmem>>
    %dma_start3A_9 = arith.constant 0 : i32
    %dma_start3A_10 = arith.constant 4096 : i32
    %dma_start3A_11 = tpu.memref_slice %arg3[%dma_start3A_9, %dma_start3A_10] : memref<8192x8192xf32, #tpu.memory_space<hbm>> -> memref<8192x4096xf32, #tpu.memory_space<hbm>>
    tpu.enqueue_indirect_dma source(%dma_start3A_11 : memref<8192x4096xf32, #tpu.memory_space<hbm>>) target(%arg7 : memref<8x4096xf32, #tpu.memory_space<vmem>>) offsets(%dma_start3A_8 : memref<8xi32, #tpu.memory_space<vmem>>) semaphore(%arg9 : memref<!tpu.dma_semaphore, #tpu.memory_space<semaphore_mem>>)
    %scan3A = arith.constant 0 : i32
    %scan3A_12 = arith.constant 0 : i32
    %scan3A_13 = arith.constant 31 : i32
    %scan3A_14 = arith.addi %scan3A_12, %scan3A_13 : i32
    %scan3A_15 = arith.constant 1 : i32
    scf.for %scan3A_52 = %scan3A_12 to %scan3A_14 step %scan3A_15  : i32 {
      %mul3A_53 = arith.constant 2 : i32
      %mul3A_54 = arith.muli %mul3A_53, %scan3A_52 : i32
      %add3A_55 = arith.constant 0 : i32
      %add3A_56 = arith.addi %mul3A_54, %add3A_55 : i32
      %dma_wait3A_57 = arith.constant 0 : i32
      %dma_wait3A_58 = arith.constant 0 : i32
      %dma_wait3A_59 = tpu.memref_slice %arg4[%dma_wait3A_57, %dma_wait3A_58] : memref<8192x8192xf32, #tpu.memory_space<hbm>> -> memref<8x4096xf32, #tpu.memory_space<hbm>>
      %dma_wait3A_60 = arith.constant 0 : i32
      %dma_wait3A_61 = arith.constant 0 : i32
      %dma_wait3A_62 = tpu.memref_slice %arg4[%dma_wait3A_60, %dma_wait3A_61] : memref<8192x8192xf32, #tpu.memory_space<hbm>> -> memref<8x4096xf32, #tpu.memory_space<hbm>>
      tpu.wait_dma2 semaphore(%arg8 : memref<!tpu.dma_semaphore, #tpu.memory_space<semaphore_mem>>) src(%dma_wait3A_62 : memref<8x4096xf32, #tpu.memory_space<hbm>>) dst(%arg6 : memref<8x4096xf32, #tpu.memory_space<vmem>>)
      %jit3A = arith.constant 2 : i32
      %div3A = arith.divsi %add3A_56, %jit3A : i32
      %sign3A = arith.constant 0 : i32
      %sign3A_63 = arith.cmpi sgt, %add3A_56, %sign3A : i32
      %sign3A_64 = arith.extui %sign3A_63 : i1 to i32
      %sign3A_65 = arith.constant 0 : i32
      %sign3A_66 = arith.cmpi slt, %add3A_56, %sign3A_65 : i32
      %sign3A_67 = arith.extui %sign3A_66 : i1 to i32
      %sign3A_68 = arith.subi %sign3A_64, %sign3A_67 : i32
      %sign3A_69 = arith.constant 0 : i32
      %sign3A_70 = arith.cmpi sgt, %jit3A, %sign3A_69 : i32
      %sign3A_71 = arith.extui %sign3A_70 : i1 to i32
      %sign3A_72 = arith.constant 0 : i32
      %sign3A_73 = arith.cmpi slt, %jit3A, %sign3A_72 : i32
      %sign3A_74 = arith.extui %sign3A_73 : i1 to i32
      %sign3A_75 = arith.subi %sign3A_71, %sign3A_74 : i32
      %ne3A = arith.cmpi ne, %sign3A_68, %sign3A_75 : i32
      %rem3A = arith.remsi %add3A_56, %jit3A : i32
      %ne3A_76 = arith.constant 0 : i32
      %ne3A_77 = arith.cmpi ne, %rem3A, %ne3A_76 : i32
      %and3A = arith.andi %ne3A, %ne3A_77 : i1
      %sub3A = arith.constant 1 : i32
      %sub3A_78 = arith.subi %div3A, %sub3A : i32
      %select_n3A = arith.select %and3A, %sub3A_78, %div3A : i32
      %jit3A_79 = arith.constant 2 : i32
      %eq3A = arith.constant 0 : i32
      %eq3A_80 = arith.cmpi eq, %jit3A_79, %eq3A : i32
      %jit3A_81 = arith.constant 1 : i32
      %select_n3A_82 = arith.select %eq3A_80, %jit3A_81, %jit3A_79 : i32
      %rem3A_83 = arith.remsi %add3A_56, %select_n3A_82 : i32
      %ne3A_84 = arith.constant 0 : i32
      %ne3A_85 = arith.cmpi ne, %rem3A_83, %ne3A_84 : i32
      %lt3A = arith.constant 0 : i32
      %lt3A_86 = arith.cmpi slt, %rem3A_83, %lt3A : i32
      %lt3A_87 = arith.constant 0 : i32
      %lt3A_88 = arith.cmpi slt, %select_n3A_82, %lt3A_87 : i32
      %ne3A_89 = arith.xori %lt3A_86, %lt3A_88 : i1
      %and3A_90 = arith.andi %ne3A_89, %ne3A_85 : i1
      %add3A_91 = arith.addi %rem3A_83, %select_n3A_82 : i32
      %select_n3A_92 = arith.select %and3A_90, %add3A_91, %rem3A_83 : i32
      %mul3A_93 = arith.constant 8 : i32
      %mul3A_94 = arith.muli %select_n3A, %mul3A_93 : i32
      %add3A_95 = arith.addi %mul3A_2, %mul3A_94 : i32
      %mul3A_96 = arith.constant 4096 : i32
      %mul3A_97 = arith.muli %select_n3A_92, %mul3A_96 : i32
      %dma_start3A_98 = tpu.memref_slice %arg4[%add3A_95, %mul3A_97] : memref<8192x8192xf32, #tpu.memory_space<hbm>> -> memref<8x4096xf32, #tpu.memory_space<hbm>>
      %dma_start3A_99 = tpu.memref_slice %arg4[%add3A_95, %mul3A_97] : memref<8192x8192xf32, #tpu.memory_space<hbm>> -> memref<8x4096xf32, #tpu.memory_space<hbm>>
      tpu.enqueue_dma source(%arg6 : memref<8x4096xf32, #tpu.memory_space<vmem>>) target(%dma_start3A_99 : memref<8x4096xf32, #tpu.memory_space<hbm>>) target_semaphore(%arg10 : memref<!tpu.dma_semaphore, #tpu.memory_space<semaphore_mem>>)
      %dma_wait3A_100 = arith.constant 0 : i32
      %dma_wait3A_101 = arith.constant 0 : i32
      %dma_wait3A_102 = tpu.memref_slice %arg4[%dma_wait3A_100, %dma_wait3A_101] : memref<8192x8192xf32, #tpu.memory_space<hbm>> -> memref<8x4096xf32, #tpu.memory_space<hbm>>
      %dma_wait3A_103 = arith.constant 0 : i32
      %dma_wait3A_104 = arith.constant 0 : i32
      %dma_wait3A_105 = tpu.memref_slice %arg4[%dma_wait3A_103, %dma_wait3A_104] : memref<8192x8192xf32, #tpu.memory_space<hbm>> -> memref<8x4096xf32, #tpu.memory_space<hbm>>
      tpu.wait_dma2 semaphore(%arg10 : memref<!tpu.dma_semaphore, #tpu.memory_space<semaphore_mem>>) src(%dma_wait3A_105 : memref<8x4096xf32, #tpu.memory_space<hbm>>) dst(%arg6 : memref<8x4096xf32, #tpu.memory_space<vmem>>)
      %add3A_106 = arith.constant 2 : i32
      %add3A_107 = arith.addi %add3A_56, %add3A_106 : i32
      %jit3A_108 = arith.constant 2 : i32
      %div3A_109 = arith.divsi %add3A_107, %jit3A_108 : i32
      %sign3A_110 = arith.constant 0 : i32
      %sign3A_111 = arith.cmpi sgt, %add3A_107, %sign3A_110 : i32
      %sign3A_112 = arith.extui %sign3A_111 : i1 to i32
      %sign3A_113 = arith.constant 0 : i32
      %sign3A_114 = arith.cmpi slt, %add3A_107, %sign3A_113 : i32
      %sign3A_115 = arith.extui %sign3A_114 : i1 to i32
      %sign3A_116 = arith.subi %sign3A_112, %sign3A_115 : i32
      %sign3A_117 = arith.constant 0 : i32
      %sign3A_118 = arith.cmpi sgt, %jit3A_108, %sign3A_117 : i32
      %sign3A_119 = arith.extui %sign3A_118 : i1 to i32
      %sign3A_120 = arith.constant 0 : i32
      %sign3A_121 = arith.cmpi slt, %jit3A_108, %sign3A_120 : i32
      %sign3A_122 = arith.extui %sign3A_121 : i1 to i32
      %sign3A_123 = arith.subi %sign3A_119, %sign3A_122 : i32
      %ne3A_124 = arith.cmpi ne, %sign3A_116, %sign3A_123 : i32
      %rem3A_125 = arith.remsi %add3A_107, %jit3A_108 : i32
      %ne3A_126 = arith.constant 0 : i32
      %ne3A_127 = arith.cmpi ne, %rem3A_125, %ne3A_126 : i32
      %and3A_128 = arith.andi %ne3A_124, %ne3A_127 : i1
      %sub3A_129 = arith.constant 1 : i32
      %sub3A_130 = arith.subi %div3A_109, %sub3A_129 : i32
      %select_n3A_131 = arith.select %and3A_128, %sub3A_130, %div3A_109 : i32
      %jit3A_132 = arith.constant 2 : i32
      %eq3A_133 = arith.constant 0 : i32
      %eq3A_134 = arith.cmpi eq, %jit3A_132, %eq3A_133 : i32
      %jit3A_135 = arith.constant 1 : i32
      %select_n3A_136 = arith.select %eq3A_134, %jit3A_135, %jit3A_132 : i32
      %rem3A_137 = arith.remsi %add3A_107, %select_n3A_136 : i32
      %ne3A_138 = arith.constant 0 : i32
      %ne3A_139 = arith.cmpi ne, %rem3A_137, %ne3A_138 : i32
      %lt3A_140 = arith.constant 0 : i32
      %lt3A_141 = arith.cmpi slt, %rem3A_137, %lt3A_140 : i32
      %lt3A_142 = arith.constant 0 : i32
      %lt3A_143 = arith.cmpi slt, %select_n3A_136, %lt3A_142 : i32
      %ne3A_144 = arith.xori %lt3A_141, %lt3A_143 : i1
      %and3A_145 = arith.andi %ne3A_144, %ne3A_139 : i1
      %add3A_146 = arith.addi %rem3A_137, %select_n3A_136 : i32
      %select_n3A_147 = arith.select %and3A_145, %add3A_146, %rem3A_137 : i32
      %mul3A_148 = arith.constant 8 : i32
      %mul3A_149 = arith.muli %select_n3A_131, %mul3A_148 : i32
      %mul3A_150 = arith.constant 4096 : i32
      %mul3A_151 = arith.muli %select_n3A_147, %mul3A_150 : i32
      %dma_start3A_152 = tpu.memref_slice %arg5[%mul3A_149] : memref<256xi32, #tpu.memory_space<vmem>> -> memref<8xi32, #tpu.memory_space<vmem>>
      %dma_start3A_153 = arith.constant 0 : i32
      %dma_start3A_154 = tpu.memref_slice %arg3[%dma_start3A_153, %mul3A_151] : memref<8192x8192xf32, #tpu.memory_space<hbm>> -> memref<8192x4096xf32, #tpu.memory_space<hbm>>
      tpu.enqueue_indirect_dma source(%dma_start3A_154 : memref<8192x4096xf32, #tpu.memory_space<hbm>>) target(%arg6 : memref<8x4096xf32, #tpu.memory_space<vmem>>) offsets(%dma_start3A_152 : memref<8xi32, #tpu.memory_space<vmem>>) semaphore(%arg8 : memref<!tpu.dma_semaphore, #tpu.memory_space<semaphore_mem>>)
      %mul3A_155 = arith.constant 2 : i32
      %mul3A_156 = arith.muli %mul3A_155, %scan3A_52 : i32
      %add3A_157 = arith.constant 1 : i32
      %add3A_158 = arith.addi %mul3A_156, %add3A_157 : i32
      %dma_wait3A_159 = arith.constant 0 : i32
      %dma_wait3A_160 = arith.constant 0 : i32
      %dma_wait3A_161 = tpu.memref_slice %arg4[%dma_wait3A_159, %dma_wait3A_160] : memref<8192x8192xf32, #tpu.memory_space<hbm>> -> memref<8x4096xf32, #tpu.memory_space<hbm>>
      %dma_wait3A_162 = arith.constant 0 : i32
      %dma_wait3A_163 = arith.constant 0 : i32
      %dma_wait3A_164 = tpu.memref_slice %arg4[%dma_wait3A_162, %dma_wait3A_163] : memref<8192x8192xf32, #tpu.memory_space<hbm>> -> memref<8x4096xf32, #tpu.memory_space<hbm>>
      tpu.wait_dma2 semaphore(%arg9 : memref<!tpu.dma_semaphore, #tpu.memory_space<semaphore_mem>>) src(%dma_wait3A_164 : memref<8x4096xf32, #tpu.memory_space<hbm>>) dst(%arg6 : memref<8x4096xf32, #tpu.memory_space<vmem>>)
      %jit3A_165 = arith.constant 2 : i32
      %div3A_166 = arith.divsi %add3A_158, %jit3A_165 : i32
      %sign3A_167 = arith.constant 0 : i32
      %sign3A_168 = arith.cmpi sgt, %add3A_158, %sign3A_167 : i32
      %sign3A_169 = arith.extui %sign3A_168 : i1 to i32
      %sign3A_170 = arith.constant 0 : i32
      %sign3A_171 = arith.cmpi slt, %add3A_158, %sign3A_170 : i32
      %sign3A_172 = arith.extui %sign3A_171 : i1 to i32
      %sign3A_173 = arith.subi %sign3A_169, %sign3A_172 : i32
      %sign3A_174 = arith.constant 0 : i32
      %sign3A_175 = arith.cmpi sgt, %jit3A_165, %sign3A_174 : i32
      %sign3A_176 = arith.extui %sign3A_175 : i1 to i32
      %sign3A_177 = arith.constant 0 : i32
      %sign3A_178 = arith.cmpi slt, %jit3A_165, %sign3A_177 : i32
      %sign3A_179 = arith.extui %sign3A_178 : i1 to i32
      %sign3A_180 = arith.subi %sign3A_176, %sign3A_179 : i32
      %ne3A_181 = arith.cmpi ne, %sign3A_173, %sign3A_180 : i32
      %rem3A_182 = arith.remsi %add3A_158, %jit3A_165 : i32
      %ne3A_183 = arith.constant 0 : i32
      %ne3A_184 = arith.cmpi ne, %rem3A_182, %ne3A_183 : i32
      %and3A_185 = arith.andi %ne3A_181, %ne3A_184 : i1
      %sub3A_186 = arith.constant 1 : i32
      %sub3A_187 = arith.subi %div3A_166, %sub3A_186 : i32
      %select_n3A_188 = arith.select %and3A_185, %sub3A_187, %div3A_166 : i32
      %jit3A_189 = arith.constant 2 : i32
      %eq3A_190 = arith.constant 0 : i32
      %eq3A_191 = arith.cmpi eq, %jit3A_189, %eq3A_190 : i32
      %jit3A_192 = arith.constant 1 : i32
      %select_n3A_193 = arith.select %eq3A_191, %jit3A_192, %jit3A_189 : i32
      %rem3A_194 = arith.remsi %add3A_158, %select_n3A_193 : i32
      %ne3A_195 = arith.constant 0 : i32
      %ne3A_196 = arith.cmpi ne, %rem3A_194, %ne3A_195 : i32
      %lt3A_197 = arith.constant 0 : i32
      %lt3A_198 = arith.cmpi slt, %rem3A_194, %lt3A_197 : i32
      %lt3A_199 = arith.constant 0 : i32
      %lt3A_200 = arith.cmpi slt, %select_n3A_193, %lt3A_199 : i32
      %ne3A_201 = arith.xori %lt3A_198, %lt3A_200 : i1
      %and3A_202 = arith.andi %ne3A_201, %ne3A_196 : i1
      %add3A_203 = arith.addi %rem3A_194, %select_n3A_193 : i32
      %select_n3A_204 = arith.select %and3A_202, %add3A_203, %rem3A_194 : i32
      %mul3A_205 = arith.constant 8 : i32
      %mul3A_206 = arith.muli %select_n3A_188, %mul3A_205 : i32
      %add3A_207 = arith.addi %mul3A_2, %mul3A_206 : i32
      %mul3A_208 = arith.constant 4096 : i32
      %mul3A_209 = arith.muli %select_n3A_204, %mul3A_208 : i32
      %dma_start3A_210 = tpu.memref_slice %arg4[%add3A_207, %mul3A_209] : memref<8192x8192xf32, #tpu.memory_space<hbm>> -> memref<8x4096xf32, #tpu.memory_space<hbm>>
      %dma_start3A_211 = tpu.memref_slice %arg4[%add3A_207, %mul3A_209] : memref<8192x8192xf32, #tpu.memory_space<hbm>> -> memref<8x4096xf32, #tpu.memory_space<hbm>>
      tpu.enqueue_dma source(%arg7 : memref<8x4096xf32, #tpu.memory_space<vmem>>) target(%dma_start3A_211 : memref<8x4096xf32, #tpu.memory_space<hbm>>) target_semaphore(%arg11 : memref<!tpu.dma_semaphore, #tpu.memory_space<semaphore_mem>>)
      %dma_wait3A_212 = arith.constant 0 : i32
      %dma_wait3A_213 = arith.constant 0 : i32
      %dma_wait3A_214 = tpu.memref_slice %arg4[%dma_wait3A_212, %dma_wait3A_213] : memref<8192x8192xf32, #tpu.memory_space<hbm>> -> memref<8x4096xf32, #tpu.memory_space<hbm>>
      %dma_wait3A_215 = arith.constant 0 : i32
      %dma_wait3A_216 = arith.constant 0 : i32
      %dma_wait3A_217 = tpu.memref_slice %arg4[%dma_wait3A_215, %dma_wait3A_216] : memref<8192x8192xf32, #tpu.memory_space<hbm>> -> memref<8x4096xf32, #tpu.memory_space<hbm>>
      tpu.wait_dma2 semaphore(%arg11 : memref<!tpu.dma_semaphore, #tpu.memory_space<semaphore_mem>>) src(%dma_wait3A_217 : memref<8x4096xf32, #tpu.memory_space<hbm>>) dst(%arg6 : memref<8x4096xf32, #tpu.memory_space<vmem>>)
      %add3A_218 = arith.constant 2 : i32
      %add3A_219 = arith.addi %add3A_158, %add3A_218 : i32
      %jit3A_220 = arith.constant 2 : i32
      %div3A_221 = arith.divsi %add3A_219, %jit3A_220 : i32
      %sign3A_222 = arith.constant 0 : i32
      %sign3A_223 = arith.cmpi sgt, %add3A_219, %sign3A_222 : i32
      %sign3A_224 = arith.extui %sign3A_223 : i1 to i32
      %sign3A_225 = arith.constant 0 : i32
      %sign3A_226 = arith.cmpi slt, %add3A_219, %sign3A_225 : i32
      %sign3A_227 = arith.extui %sign3A_226 : i1 to i32
      %sign3A_228 = arith.subi %sign3A_224, %sign3A_227 : i32
      %sign3A_229 = arith.constant 0 : i32
      %sign3A_230 = arith.cmpi sgt, %jit3A_220, %sign3A_229 : i32
      %sign3A_231 = arith.extui %sign3A_230 : i1 to i32
      %sign3A_232 = arith.constant 0 : i32
      %sign3A_233 = arith.cmpi slt, %jit3A_220, %sign3A_232 : i32
      %sign3A_234 = arith.extui %sign3A_233 : i1 to i32
      %sign3A_235 = arith.subi %sign3A_231, %sign3A_234 : i32
      %ne3A_236 = arith.cmpi ne, %sign3A_228, %sign3A_235 : i32
      %rem3A_237 = arith.remsi %add3A_219, %jit3A_220 : i32
      %ne3A_238 = arith.constant 0 : i32
      %ne3A_239 = arith.cmpi ne, %rem3A_237, %ne3A_238 : i32
      %and3A_240 = arith.andi %ne3A_236, %ne3A_239 : i1
      %sub3A_241 = arith.constant 1 : i32
      %sub3A_242 = arith.subi %div3A_221, %sub3A_241 : i32
      %select_n3A_243 = arith.select %and3A_240, %sub3A_242, %div3A_221 : i32
      %jit3A_244 = arith.constant 2 : i32
      %eq3A_245 = arith.constant 0 : i32
      %eq3A_246 = arith.cmpi eq, %jit3A_244, %eq3A_245 : i32
      %jit3A_247 = arith.constant 1 : i32
      %select_n3A_248 = arith.select %eq3A_246, %jit3A_247, %jit3A_244 : i32
      %rem3A_249 = arith.remsi %add3A_219, %select_n3A_248 : i32
      %ne3A_250 = arith.constant 0 : i32
      %ne3A_251 = arith.cmpi ne, %rem3A_249, %ne3A_250 : i32
      %lt3A_252 = arith.constant 0 : i32
      %lt3A_253 = arith.cmpi slt, %rem3A_249, %lt3A_252 : i32
      %lt3A_254 = arith.constant 0 : i32
      %lt3A_255 = arith.cmpi slt, %select_n3A_248, %lt3A_254 : i32
      %ne3A_256 = arith.xori %lt3A_253, %lt3A_255 : i1
      %and3A_257 = arith.andi %ne3A_256, %ne3A_251 : i1
      %add3A_258 = arith.addi %rem3A_249, %select_n3A_248 : i32
      %select_n3A_259 = arith.select %and3A_257, %add3A_258, %rem3A_249 : i32
      %mul3A_260 = arith.constant 8 : i32
      %mul3A_261 = arith.muli %select_n3A_243, %mul3A_260 : i32
      %mul3A_262 = arith.constant 4096 : i32
      %mul3A_263 = arith.muli %select_n3A_259, %mul3A_262 : i32
      %dma_start3A_264 = tpu.memref_slice %arg5[%mul3A_261] : memref<256xi32, #tpu.memory_space<vmem>> -> memref<8xi32, #tpu.memory_space<vmem>>
      %dma_start3A_265 = arith.constant 0 : i32
      %dma_start3A_266 = tpu.memref_slice %arg3[%dma_start3A_265, %mul3A_263] : memref<8192x8192xf32, #tpu.memory_space<hbm>> -> memref<8192x4096xf32, #tpu.memory_space<hbm>>
      tpu.enqueue_indirect_dma source(%dma_start3A_266 : memref<8192x4096xf32, #tpu.memory_space<hbm>>) target(%arg7 : memref<8x4096xf32, #tpu.memory_space<vmem>>) offsets(%dma_start3A_264 : memref<8xi32, #tpu.memory_space<vmem>>) semaphore(%arg9 : memref<!tpu.dma_semaphore, #tpu.memory_space<semaphore_mem>>)
    }
    %scan3A_16 = arith.constant 31 : i32
    %dma_wait3A = arith.constant 0 : i32
    %dma_wait3A_17 = arith.constant 0 : i32
    %dma_wait3A_18 = tpu.memref_slice %arg4[%dma_wait3A, %dma_wait3A_17] : memref<8192x8192xf32, #tpu.memory_space<hbm>> -> memref<8x4096xf32, #tpu.memory_space<hbm>>
    %dma_wait3A_19 = arith.constant 0 : i32
    %dma_wait3A_20 = arith.constant 0 : i32
    %dma_wait3A_21 = tpu.memref_slice %arg4[%dma_wait3A_19, %dma_wait3A_20] : memref<8192x8192xf32, #tpu.memory_space<hbm>> -> memref<8x4096xf32, #tpu.memory_space<hbm>>
    tpu.wait_dma2 semaphore(%arg8 : memref<!tpu.dma_semaphore, #tpu.memory_space<semaphore_mem>>) src(%dma_wait3A_21 : memref<8x4096xf32, #tpu.memory_space<hbm>>) dst(%arg6 : memref<8x4096xf32, #tpu.memory_space<vmem>>)
    %add3A_22 = arith.constant 248 : i32
    %add3A_23 = arith.addi %mul3A_2, %add3A_22 : i32
    %dma_start3A_24 = arith.constant 0 : i32
    %dma_start3A_25 = tpu.memref_slice %arg4[%add3A_23, %dma_start3A_24] : memref<8192x8192xf32, #tpu.memory_space<hbm>> -> memref<8x4096xf32, #tpu.memory_space<hbm>>
    %dma_start3A_26 = arith.constant 0 : i32
    %dma_start3A_27 = tpu.memref_slice %arg4[%add3A_23, %dma_start3A_26] : memref<8192x8192xf32, #tpu.memory_space<hbm>> -> memref<8x4096xf32, #tpu.memory_space<hbm>>
    tpu.enqueue_dma source(%arg6 : memref<8x4096xf32, #tpu.memory_space<vmem>>) target(%dma_start3A_27 : memref<8x4096xf32, #tpu.memory_space<hbm>>) target_semaphore(%arg10 : memref<!tpu.dma_semaphore, #tpu.memory_space<semaphore_mem>>)
    %dma_wait3A_28 = arith.constant 0 : i32
    %dma_wait3A_29 = arith.constant 0 : i32
    %dma_wait3A_30 = tpu.memref_slice %arg4[%dma_wait3A_28, %dma_wait3A_29] : memref<8192x8192xf32, #tpu.memory_space<hbm>> -> memref<8x4096xf32, #tpu.memory_space<hbm>>
    %dma_wait3A_31 = arith.constant 0 : i32
    %dma_wait3A_32 = arith.constant 0 : i32
    %dma_wait3A_33 = tpu.memref_slice %arg4[%dma_wait3A_31, %dma_wait3A_32] : memref<8192x8192xf32, #tpu.memory_space<hbm>> -> memref<8x4096xf32, #tpu.memory_space<hbm>>
    tpu.wait_dma2 semaphore(%arg10 : memref<!tpu.dma_semaphore, #tpu.memory_space<semaphore_mem>>) src(%dma_wait3A_33 : memref<8x4096xf32, #tpu.memory_space<hbm>>) dst(%arg6 : memref<8x4096xf32, #tpu.memory_space<vmem>>)
    %dma_wait3A_34 = arith.constant 0 : i32
    %dma_wait3A_35 = arith.constant 0 : i32
    %dma_wait3A_36 = tpu.memref_slice %arg4[%dma_wait3A_34, %dma_wait3A_35] : memref<8192x8192xf32, #tpu.memory_space<hbm>> -> memref<8x4096xf32, #tpu.memory_space<hbm>>
    %dma_wait3A_37 = arith.constant 0 : i32
    %dma_wait3A_38 = arith.constant 0 : i32
    %dma_wait3A_39 = tpu.memref_slice %arg4[%dma_wait3A_37, %dma_wait3A_38] : memref<8192x8192xf32, #tpu.memory_space<hbm>> -> memref<8x4096xf32, #tpu.memory_space<hbm>>
    tpu.wait_dma2 semaphore(%arg9 : memref<!tpu.dma_semaphore, #tpu.memory_space<semaphore_mem>>) src(%dma_wait3A_39 : memref<8x4096xf32, #tpu.memory_space<hbm>>) dst(%arg6 : memref<8x4096xf32, #tpu.memory_space<vmem>>)
    %add3A_40 = arith.constant 248 : i32
    %add3A_41 = arith.addi %mul3A_2, %add3A_40 : i32
    %dma_start3A_42 = arith.constant 4096 : i32
    %dma_start3A_43 = tpu.memref_slice %arg4[%add3A_41, %dma_start3A_42] : memref<8192x8192xf32, #tpu.memory_space<hbm>> -> memref<8x4096xf32, #tpu.memory_space<hbm>>
    %dma_start3A_44 = arith.constant 4096 : i32
    %dma_start3A_45 = tpu.memref_slice %arg4[%add3A_41, %dma_start3A_44] : memref<8192x8192xf32, #tpu.memory_space<hbm>> -> memref<8x4096xf32, #tpu.memory_space<hbm>>
    tpu.enqueue_dma source(%arg7 : memref<8x4096xf32, #tpu.memory_space<vmem>>) target(%dma_start3A_45 : memref<8x4096xf32, #tpu.memory_space<hbm>>) target_semaphore(%arg11 : memref<!tpu.dma_semaphore, #tpu.memory_space<semaphore_mem>>)
    %dma_wait3A_46 = arith.constant 0 : i32
    %dma_wait3A_47 = arith.constant 0 : i32
    %dma_wait3A_48 = tpu.memref_slice %arg4[%dma_wait3A_46, %dma_wait3A_47] : memref<8192x8192xf32, #tpu.memory_space<hbm>> -> memref<8x4096xf32, #tpu.memory_space<hbm>>
    %dma_wait3A_49 = arith.constant 0 : i32
    %dma_wait3A_50 = arith.constant 0 : i32
    %dma_wait3A_51 = tpu.memref_slice %arg4[%dma_wait3A_49, %dma_wait3A_50] : memref<8192x8192xf32, #tpu.memory_space<hbm>> -> memref<8x4096xf32, #tpu.memory_space<hbm>>
    tpu.wait_dma2 semaphore(%arg11 : memref<!tpu.dma_semaphore, #tpu.memory_space<semaphore_mem>>) src(%dma_wait3A_51 : memref<8x4096xf32, #tpu.memory_space<hbm>>) dst(%arg6 : memref<8x4096xf32, #tpu.memory_space<vmem>>)
    return
  }
}

</mosaic_0001>

<sc_bundles>
// kernel: kernel.3.cloned.1.call-start
scs
__scs_entry_jumppad:
0x0: {  	(pc) =	sbr.rel $0x88, $3  }
0x1: {  	(tag) =	ssettag $0x0;
	lr =	simm.s32 $0x1  }
0x2: {  	[smem:$0x3F9F] =	sst lr;
	_ =	strace $0xD0000000  }
0x3: {  	_ = 	snop  }
0x4: {  	_ = 	snop  }
0x5: {  	_ = 	snop  }
0x6: {  	_ = 	snop  }
0x7: {  	_ = 	snop  }
__scs_overlays_trampoline_lowered:
0x8: {  	[smem:$0x3FAE] =	sst s0  }
0x9: {  	[smem:$0x3FAF] =	sst s1  }
0xa: {  	[smem:$0x3FB0] =	sst s2  }
0xb: {  	[smem:$0x3FB1] =	sst s3  }
0xc: {  	[smem:$0x3FB2] =	sst s4  }
0xd: {  	[smem:$0x3FB3] =	sst s5  }
0xe: {  	[smem:$0x3FB4] =	sst s6  }
0xf: {  	[smem:$0x3FB5] =	sst s7  }
0x10: {  	[smem:$0x3FB6] =	sst s8  }
0x11: {  	[smem:$0x3FB7] =	sst s9;
	s0 =	simm.s32 @!p0 $0x0  }
0x12: {  	s1 =	sld [smem:$0x3F9D];
	s0 =	simm.s32 @p0 $0x1  }
0x13: {  	[smem:$0x3FB8] =	sst s0;
	s0 =	simm.s32 @!p1 $0x0  }
0x14: {  	s2 =	sld [smem:$0x3F9C];
	s0 =	simm.s32 @p1 $0x1  }
0x15: {  	[smem:$0x3FB9] =	sst s0;
	s0 =	simm.s32 @!p2 $0x0  }
0x16: {  	s3 =	sld [smem:$0x3FDB];
	s0 =	simm.s32 @p2 $0x1  }
0x17: {  	s4 =	simm.s32 $0x1BF5;
	[smem:$0x3FBB] =	sst s0  }
0x18: {  	s0 =	sld [smem:$0x3F9E];
	_ =	swait.ge [sflag:s4], $0x0  }
0x19: {  	s7 =	sld [smem:$0x3F9F]  }
0x1a: {  	s8 =	sadd.s32 $0xFFFFE003, lr  }
0x1b: {  	s9 =	sadd.s32 $0xFFFFFEF7, lr;
	s5 =	simm.s32 $0xFFFFFFFF;
	p2 =	slt.u32 s8, $0xFFFFF086  }
0x1c: {  	p1 =	slt.u32 s9, $0xF7A;
	s5 =	simm.s32 @!p2 $0x0  }
0x1d: {  	s5 =	simm.s32 @p1 $0x1;
	p0 =	seq.s32 s7, s2  }
0x1e: {  	s7 =	smul.u32 @!p0 $0xF7A, s2;
	p2 =	seq.s32 @!p0 s5, $0x0  }
0x1f: {  	s9 =	smul.u32 $0xF7A, s1;
	s8 =	simm.s32 @!p0 $0x1BF5;
	p2 =	por !p2, p0  }
0x20: {  	[sflag:s8] =	ssyncset.s32 @!p0 $0xFFFFF086;
	s6 =	sadd.s32 @!p0 s3, s7;
	s7 =	simm.s32 @!p0 $0x108  }
0x21: {  	s3 =	sadd.s32 s3, s9;
	s6 =	sadd.s32 @!p0 $0x88, s6;
	s7 =	simm.s32 @p2 $0x1082  }
0x22: {  	[simem:s7], [sflag:s8] =	dma.local @!p0 [hbm:s6], $0xF7A  }
0x23: {  	s9 =	sor.u32 $0xD0000000, s2;
	s6 =	simm.s32 $0x108;
	_ =	swait.ge @!p0 [sflag:s8], $0x0  }
0x24: {  	s3 =	sadd.s32 $0x88, s3;
	s6 =	simm.s32 @!p1 $0x1082;
	[sflag:s4] =	ssyncset.s32 $0xFFFFF086  }
0x25: {  	[simem:s6], [sflag:s4] =	dma.local [hbm:s3], $0xF7A  }
0x26: {  	[smem:$0x3F9F] =	sst s1;
	(tag) =	ssettag s2;
	_ =	strace s9  }
0x27: {  	s1 =	sld [smem:$0x3FAF]  }
0x28: {  	s2 =	sld [smem:$0x3FB0]  }
0x29: {  	s4 =	sld [smem:$0x3FB2]  }
0x2a: {  	p0 =	seq.s32 s5, $0x0;
	s5 =	sld [smem:$0x3FB3]  }
0x2b: {  	s6 =	sld [smem:$0x3FB4]  }
0x2c: {  	s7 =	sld [smem:$0x3FB5]  }
0x2d: {  	s3 =	simm.s32 $0x108;
	s8 =	sld [smem:$0x3FB6]  }
0x2e: {  	s3 =	simm.s32 @!p0 $0x1082;
	s9 =	sld [smem:$0x3FB7]  }
0x2f: {  	lr =	sadd.s32 s0, s3;
	s0 =	sld [smem:$0x3FAE]  }
0x30: {  	s3 =	sld [smem:$0x3FB1]  }
0x31: {  	[smem:$0x3FBA] =	sst s10  }
0x32: {  	s10 =	sld [smem:$0x3FB8];
	_ =	sdelay $0x3  }
0x33: {  	p0 =	seq.s32 s10, $0x1;
	s10 =	sld [smem:$0x3FBA];
	_ =	sdelay $0x3  }
0x34: {  	[smem:$0x3FBA] =	sst s10  }
0x35: {  	s10 =	sld [smem:$0x3FB9];
	_ =	sdelay $0x3  }
0x36: {  	p1 =	seq.s32 s10, $0x1;
	s10 =	sld [smem:$0x3FBA];
	_ =	sdelay $0x3  }
0x37: {  	[smem:$0x3FBA] =	sst s10  }
0x38: {  	s10 =	sld [smem:$0x3FBB]  }
0x39: {  	_ = 	snop;
	(pc) =	sbr.ind lr, $3  }
0x3a: {  	_ = 	snop  }
0x3b: {  	_ = 	snop  }
0x3c: {  	p2 =	seq.s32 s10, $0x1;
	s10 =	sld [smem:$0x3FBA]  }
0x3d: {  	_ =	shalt  }
0x3e: {  	_ =	shalt  }
0x3f: {  	_ =	shalt  }
0x40: {  	_ =	shalt  }
0x41: {  	_ =	shalt  }
0x42: {  	_ =	shalt  }
0x43: {  	_ =	shalt  }
0x44: {  	_ =	shalt  }
0x45: {  	_ =	shalt  }
0x46: {  	_ =	shalt  }
0x47: {  	_ =	shalt  }
0x48: {  	_ =	shalt  }
0x49: {  	_ =	shalt  }
0x4a: {  	_ =	shalt  }
0x4b: {  	_ =	shalt  }
0x4c: {  	_ =	shalt  }
0x4d: {  	_ =	shalt  }
0x4e: {  	_ =	shalt  }
0x4f: {  	_ =	shalt  }
0x50: {  	_ =	shalt  }
0x51: {  	_ =	shalt  }
0x52: {  	_ =	shalt  }
0x53: {  	_ =	shalt  }
0x54: {  	_ =	shalt  }
0x55: {  	_ =	shalt  }
0x56: {  	_ =	shalt  }
0x57: {  	_ =	shalt  }
0x58: {  	_ =	shalt  }
0x59: {  	_ =	shalt  }
0x5a: {  	_ =	shalt  }
0x5b: {  	_ =	shalt  }
0x5c: {  	_ =	shalt  }
0x5d: {  	_ =	shalt  }
0x5e: {  	_ =	shalt  }
0x5f: {  	_ =	shalt  }
0x60: {  	_ =	shalt  }
0x61: {  	_ =	shalt  }
0x62: {  	_ =	shalt  }
0x63: {  	_ =	shalt  }
0x64: {  	_ =	shalt  }
0x65: {  	_ =	shalt  }
0x66: {  	_ =	shalt  }
0x67: {  	_ =	shalt  }
0x68: {  	_ =	shalt  }
0x69: {  	_ =	shalt  }
0x6a: {  	_ =	shalt  }
0x6b: {  	_ =	shalt  }
0x6c: {  	_ =	shalt  }
0x6d: {  	_ =	shalt  }
0x6e: {  	_ =	shalt  }
0x6f: {  	_ =	shalt  }
0x70: {  	_ =	shalt  }
0x71: {  	_ =	shalt  }
0x72: {  	_ =	shalt  }
0x73: {  	_ =	shalt  }
0x74: {  	_ =	shalt  }
0x75: {  	_ =	shalt  }
0x76: {  	_ =	shalt  }
0x77: {  	_ =	shalt  }
0x78: {  	_ =	shalt  }
0x79: {  	_ =	shalt  }
0x7a: {  	_ =	shalt  }
0x7b: {  	_ =	shalt  }
0x7c: {  	_ =	shalt  }
0x7d: {  	_ =	shalt  }
0x7e: {  	_ =	shalt  }
0x7f: {  	_ =	shalt  }
0x80: {  	_ =	shalt  }
0x81: {  	_ =	shalt  }
0x82: {  	_ =	shalt  }
0x83: {  	_ =	shalt  }
0x84: {  	_ =	shalt  }
0x85: {  	_ =	shalt  }
0x86: {  	_ =	shalt  }
0x87: {  	_ =	shalt  }
.Lfunc_end0:
.L_simem_size_0:
called_computation_lowered:
.L_overlay_start_0:
0x88: {  	s2 =	sld [smem:$0x3FD9]  }
0x89: {  	s3 =	sld [smem:$0x3FFE];
	_ =	sdelay $0x1  }
0x8a: {  	s1 =	srdreg.scid  }
0x8b: {  	s0 =	sand.u32 $0x1, s1  }
0x8c: {  	s17 =	sshll.u32 s0, $0xA;
	s2 =	sadd.s32 s3, s2  }
0x8d: {  	s2 =	sadd.s32 s2, s17  }
0x8e: {  	[smem:$0x3FC6] =	sst s2  }
0x8f: {  	_ = 	snop  }
0x90: {  	s2 =	sld [smem:$0x3FC8]  }
0x91: {  	s18 =	sld [smem:$0x3FD0];
	(tm) =	ssettm $0x1  }
0x92: {  	s4 =	sld [smem:$0x3FFB];
	_ =	sdelay $0x3  }
0x93: {  	_ =	strace s4  }
0x94: {  	s4 =	sld [smem:$0x3FFC];
	_ =	sdelay $0x3  }
0x95: {  	_ =	strace s4  }
0x96: {  	s4 =	sld [smem:$0x3FFD];
	_ =	sdelay $0x3  }
0x97: {  	_ =	strace s4  }
0x98: {  	_ =	strace $0x8FFFFFFF  }
0x99: {  	s19 =	sld [smem:$0x3FDB];
	_ =	sdelay $0x1  }
0x9a: {  	s5 =	simm.s32 $_scs_section_size  }
0x9b: {  	s6 =	simm.s32 $_size__tile_overlayer_lowered;
	s7 =	simm.s32 $_tile_overlayer_lowered  }
0x9c: {  	s22 =	simm.s32 $0x1BFF;
	s21 =	sshll.u32 s7, $0x1;
	s4 =	sadd.s32 s5, s19  }
0x9d: {  	s8 =	simm.s32 $0x0;
	s20 =	sshll.u32 s6, $0x1;
	s6 =	sadd.s32 s21, s4  }
0x9e: {  	[timem:s8], [sflag:s22] =	dma.local [hbm:s6], s20  }
0x9f: {  	_ =	swait.ge [sflag:s22], s20  }
0xa0: {  	s5 =	ssub.s32 $0x0, s20;
	[sflag:s22] =	ssyncset.done $0x0  }
0xa1: {  	[sflag:s22] =	ssyncadd.s32 s5;
	_ =	sdelay $0x1  }
0xa2: {  	s23 =	simm.s32 $0x1B8B  }
0xa3: {  	_ =	swait.ge [sflag:s23], $0x1  }
0xa4: {  	[sflag:s23] =	ssyncset.done $0x0  }
0xa5: {  	s25 =	simm.s32 $0x1B8E;
	s24 =	sld [smem:$0x3FFE];
	[sflag:s23] =	ssyncadd.s32 $0xFFFFFFFF  }
0xa6: {  	s26 =	simm.s32 $execute0_lowered;
	[smem:$0x3FD2] =	sst s25  }
0xa7: {  	s6 =	sshll.u32 s26, $0x1;
	_ =	strace $0x80000046;
	[dreg:$0x1] =	wrdreg $0xFFFFFFFF  }
0xa8: {  	s28 =	simm.s32 $_size_execute0_lowered;
	s4 =	sadd.s32 s4, s6;
	[dreg:$0x0] =	wrdreg $0x0  }
0xa9: {  	s6 =	sshll.u32 s28, $0x1;
	[dreg:$0x2] =	wrdreg s4  }
0xaa: {  	[dreg:$0x3] =	wrdreg s6  }
0xab: {  	[dreg:$0x4] =	wrdreg $0xC0  }
0xac: {  	_ =	task [dreg:s8], $0x5FFFF  }
0xad: {  	[dreg:$0x1] =	wrdreg $0xFFFFFFFF  }
0xae: {  	[dreg:$0x0] =	wrdreg $0x60  }
0xaf: {  	[dreg:$0x2] =	wrdreg s24  }
0xb0: {  	[dreg:$0x3] =	wrdreg s2  }
0xb1: {  	[dreg:$0x4] =	wrdreg s18  }
0xb2: {  	[dreg:$0x5] =	wrdreg $0x9  }
0xb3: {  	_ =	task.clear_ibuf [dreg:s8], $0x6FFFF;
	_ =	strace $0x90000046  }
0xb4: {  	s29 =	simm.s32 $0x9;
	_ =	strace $0x80000048  }
0xb5: {  	_ =	swait.ge [sflag:s29], $0x1  }
0xb6: {  	[sflag:s29] =	ssyncadd.s32 $0xFFFFFFFF  }
0xb7: {  	_ =	strace $0x90000048  }
0xb8: {  	_ =	sfence  }
0xb9: {  	s30 =	sld [smem:$0x0];
	_ =	sdelay $0x2  }
0xba: {  	s31 =	sshll.u32 s1, $0xD;
	s1 =	sshrl.u32 s1, $0x2  }
0xbb: {  	s3 =	sand.u32 $0x4000, s31;
	s1 =	sadd.s32 s1, s30  }
0xbc: {  	s0 =	sor.u32 s3, s0;
	s1 =	sshll.u32 s1, $0x11  }
0xbd: {  	s0 =	sor.u32 s1, s0  }
0xbe: {  	s0 =	sadd.s32 $0x8F2B, s0  }
0xbf: {  	[sflag:s0] =	ssyncadd.remote.s32 $0x1  }
0xc0: {  	_ =	sfence.sel $0xFFFF  }
0xc1: {  	[dreg:$0x0] =	wrdreg $0xFFFFFFFF;
	(pc) =	sbr.abs _section_cstart, $3  }
0xc2: {  	[dreg:$0x1] =	wrdreg $0xFFFFFFFF  }
0xc3: {  	_ =	task.clear_ibuf [dreg:s8], $0x2FFFF;
	_ =	strace $0x9FFFFFFF  }
0xc4: {  	(tm) =	ssettm $0x7FFFFFFF  }
0xc5: {  	_ =	shalt  }
tec
execute0_lowered:
.L_overlay_start_1:
0x0: {  	(tag) =	ssettag $0x1  }
0x1: {  	s0 =	rddreg [dreg:$0x0]  }
0x2: {  	s15 =	rddreg [dreg:$0x1];
	s1 =	srdreg.scid  }
0x3: {  	s2 =	rddreg [dreg:$0x2];
	s3 =	stileid.u32;
	s7 =	simm.s32 $0x1900  }
0x4: {  	s8 =	simm.s32 $0x2100;
	s29 =	simm.s32 $0x5100;
	s31 =	simm.s32 $0x8100  }
0x5: {  	s1 =	sand.u32 $0x1, s1;
	s4 =	sshll.u32 s3, $0x9;
	s3 =	simm.s32 $0x0  }
0x6: {  	s16 =	sadd.s32 $0x100, s15;
	s17 =	sadd.s32 $0x200, s15;
	s18 =	sadd.s32 $0x300, s15  }
0x7: {  	s19 =	sadd.s32 $0x400, s15;
	s26 =	sadd.s32 $0x500, s15;
	s30 =	sadd.s32 $0x600, s15  }
0x8: {  	s21 =	sadd.s32 $0x700, s15;
	s9 =	sadd.s32 $0x800, s15;
	s22 =	sadd.s32 $0x900, s15  }
0x9: {  	s23 =	sadd.s32 $0xA00, s15;
	s24 =	sadd.s32 $0xB00, s15;
	s20 =	sadd.s32 $0xC00, s15  }
0xa: {  	s25 =	sadd.s32 $0xD00, s15;
	s11 =	sadd.s32 $0xE00, s15;
	s28 =	sadd.s32 $0xF00, s15  }
0xb: {  	s14 =	sadd.s32 $0x1000, s15;
	s5 =	sshll.u32 s1, $0x8;
	s1 =	ssub.s32 $0x2, s1  }
0xc: {  	[smem:$0x7FF] =	sst s3;
	s4 =	sor.u32 s5, s4;
	s6 =	sshrl.u32 s1, $0x1  }
0xd: {  	_ =	strace $0x80000047;
	s5 =	sshrl.u32 s4, $0x3;
	s1 =	ssub.s32 s1, s6  }
0xe: {  	s10 =	sshll.u32 s4, $0xA;
	s4 =	smov.u32 s9;
	s6 =	simm.s32 $0x1100  }
0xf: {  	s9 =	simm.s32 $0x2900;
	s0 =	sadd.s32 s5, s0;
	s13 =	smax.u32 s1, $0x1  }
0x10: {  	s1 =	simm.s32 $0x100;
	s0 =	sadd.s32 $0x400, s0;
	[dreg:$0x8] =	wrdreg s13  }
0x11: {  	s5 =	simm.s32 $0x5900;
	[dreg:$0x4] =	wrdreg s0;
	s0 =	sadd.s32 s10, s2  }
0x12: {  	s13 =	simm.s32 $0x4900;
	s12 =	sadd.s32 $0x3E000, s0;
	[dreg:$0x5] =	wrdreg s0  }
0x13: {  	v0 =	vlaneseq.u32;
	s2 =	smov.u32 s11;
	s0 =	sadd.s32 $0x3F000, s0;
	[dreg:$0x6] =	wrdreg s12  }
0x14: {  	v1 =	vshrl.u32 v0, $0x3;
	s10 =	simm.s32 $0x3100;
	[dreg:$0x7] =	wrdreg s0;
	s0 =	simm.s32 $0x0  }
0x15: {  	vm0 =	vmmov $0xffff;
	v0 =	vand.u32 $0x7, v0;
	v1 =	vmul.u32 $0x8, v1;
	s11 =	simm.s32 $0x3900;
	s12 =	simm.s32 $0x4100;
	[dreg:$0x9] =	wrdreg s0  }
.LBB2_1:
0x16: {  	s0 =	rddreg [dreg:$0x4]  }
0x17: {  	[tilespmem:s3], [sflag:$0x5] =	stream.linear.gather [hbm4b:s0+s3], $0x100, $0x38;
	[tilespmem:$0x10100] =	vst v63  }
0x18: {  	s0 =	simm.s32 $0x5  }
0x19: {  	_ =	swait.ge [sflag:s0], $0x100  }
0x1a: {  	[sflag:s0] =	ssyncset.done $0x0  }
0x1b: {  	[sflag:s0] =	ssyncadd.s32 $0xFFFFFF00  }
0x1c: {  	v2 =	vld.msk [tilespmem:$0x0], $0xff;
	_ =	sdelay $0x4  }
0x1d: {  	v3 =	vshll.u32 v2, $0x6  }
0x1e: {  	v2 =	vand.u32 $0x7, v2;
	v3 =	vand.u32 $0xFFFFFE00, v3  }
0x1f: {  	v2 =	vor.u32 v2, v3  }
0x20: {  	v2 =	vperm.xlane v2, v0;
	_ =	sdelay $0x1  }
0x21: {  	v2 =	vadd.s32 v1, v2;
	_ =	sdelay $0x4  }
0x22: {  	[tilespmem:s1], [sflag:$0x1] =	stream.indirect_vreg.gather [hbm4b:s15+s3], $0x80, v2, vm0, $0xb8;
	[tilespmem:$0x10100] =	vst v63  }
0x23: {  	s1 =	simm.s32 $0x900  }
0x24: {  	[tilespmem:s1], [sflag:$0x1] =	stream.indirect_vreg.gather [hbm4b:s16+s3], $0x80, v2, vm0, $0xb8;
	[tilespmem:$0x10100] =	vst v63  }
0x25: {  	_ = 	snop  }
0x26: {  	[tilespmem:s6], [sflag:$0x1] =	stream.indirect_vreg.gather [hbm4b:s17+s3], $0x80, v2, vm0, $0xb8;
	[tilespmem:$0x10100] =	vst v63  }
0x27: {  	_ = 	snop  }
0x28: {  	[tilespmem:s7], [sflag:$0x1] =	stream.indirect_vreg.gather [hbm4b:s18+s3], $0x80, v2, vm0, $0xb8;
	[tilespmem:$0x10100] =	vst v63  }
0x29: {  	_ = 	snop  }
0x2a: {  	[tilespmem:s8], [sflag:$0x1] =	stream.indirect_vreg.gather [hbm4b:s19+s3], $0x80, v2, vm0, $0xb8;
	[tilespmem:$0x10100] =	vst v63  }
0x2b: {  	_ = 	snop  }
0x2c: {  	[tilespmem:s9], [sflag:$0x1] =	stream.indirect_vreg.gather [hbm4b:s26+s3], $0x80, v2, vm0, $0xb8;
	[tilespmem:$0x10100] =	vst v63  }
0x2d: {  	_ = 	snop  }
0x2e: {  	[tilespmem:s10], [sflag:$0x1] =	stream.indirect_vreg.gather [hbm4b:s30+s3], $0x80, v2, vm0, $0xb8;
	[tilespmem:$0x10100] =	vst v63  }
0x2f: {  	_ = 	snop  }
0x30: {  	[tilespmem:s11], [sflag:$0x1] =	stream.indirect_vreg.gather [hbm4b:s21+s3], $0x80, v2, vm0, $0xb8;
	[tilespmem:$0x10100] =	vst v63  }
0x31: {  	_ = 	snop  }
0x32: {  	[tilespmem:s12], [sflag:$0x1] =	stream.indirect_vreg.gather [hbm4b:s4+s3], $0x80, v2, vm0, $0xb8;
	[tilespmem:$0x10100] =	vst v63  }
0x33: {  	_ = 	snop  }
0x34: {  	[tilespmem:s13], [sflag:$0x1] =	stream.indirect_vreg.gather [hbm4b:s22+s3], $0x80, v2, vm0, $0xb8;
	[tilespmem:$0x10100] =	vst v63  }
0x35: {  	_ = 	snop  }
0x36: {  	[tilespmem:s29], [sflag:$0x1] =	stream.indirect_vreg.gather [hbm4b:s23+s3], $0x80, v2, vm0, $0xb8;
	[tilespmem:$0x10100] =	vst v63  }
0x37: {  	_ = 	snop  }
0x38: {  	[tilespmem:s5], [sflag:$0x1] =	stream.indirect_vreg.gather [hbm4b:s24+s3], $0x80, v2, vm0, $0xb8;
	[tilespmem:$0x10100] =	vst v63  }
0x39: {  	s10 =	simm.s32 $0x6100  }
0x3a: {  	[tilespmem:s10], [sflag:$0x1] =	stream.indirect_vreg.gather [hbm4b:s20+s3], $0x80, v2, vm0, $0xb8;
	[tilespmem:$0x10100] =	vst v63  }
0x3b: {  	s11 =	simm.s32 $0x6900  }
0x3c: {  	[tilespmem:s11], [sflag:$0x1] =	stream.indirect_vreg.gather [hbm4b:s25+s3], $0x80, v2, vm0, $0xb8;
	[tilespmem:$0x10100] =	vst v63  }
0x3d: {  	s12 =	simm.s32 $0x7100  }
0x3e: {  	[tilespmem:s12], [sflag:$0x1] =	stream.indirect_vreg.gather [hbm4b:s2+s3], $0x80, v2, vm0, $0xb8;
	[tilespmem:$0x10100] =	vst v63  }
0x3f: {  	s13 =	simm.s32 $0x7900  }
0x40: {  	[tilespmem:s13], [sflag:$0x1] =	stream.indirect_vreg.gather [hbm4b:s28+s3], $0x80, v2, vm0, $0xb8;
	[tilespmem:$0x10100] =	vst v63  }
0x41: {  	v2 =	vld.msk [tilespmem:$0x0], $0xff;
	_ =	sdelay $0x4  }
0x42: {  	v3 =	vshll.u32 v2, $0x6  }
0x43: {  	v2 =	vand.u32 $0x7, v2;
	v3 =	vand.u32 $0xFFFFFE00, v3  }
0x44: {  	v2 =	vor.u32 v2, v3  }
0x45: {  	v2 =	vperm.xlane v2, v0;
	_ =	sdelay $0x1  }
0x46: {  	v2 =	vadd.s32 v1, v2;
	_ =	sdelay $0x2  }
0x47: {  	s1 =	sadd.s32 $0x200, s14  }
0x48: {  	[dreg:$0xb] =	wrdreg s1  }
0x49: {  	[tilespmem:s31], [sflag:$0x2] =	stream.indirect_vreg.gather [hbm4b:s14+s3], $0x80, v2, vm0, $0xb8;
	[tilespmem:$0x10100] =	vst v63  }
0x4a: {  	s6 =	sadd.s32 $0x300, s14;
	s29 =	sadd.s32 $0x100, s14;
	s31 =	simm.s32 $0x8900  }
0x4b: {  	[tilespmem:s31], [sflag:$0x2] =	stream.indirect_vreg.gather [hbm4b:s29+s3], $0x80, v2, vm0, $0xb8;
	[tilespmem:$0x10100] =	vst v63  }
0x4c: {  	[dreg:$0xc] =	wrdreg s6;
	s8 =	sadd.s32 $0x400, s14;
	s5 =	simm.s32 $0x9100  }
0x4d: {  	[tilespmem:s5], [sflag:$0x2] =	stream.indirect_vreg.gather [hbm4b:s1+s3], $0x80, v2, vm0, $0xb8;
	[tilespmem:$0x10100] =	vst v63  }
0x4e: {  	s7 =	simm.s32 $0x9900;
	[dreg:$0xd] =	wrdreg s8  }
0x4f: {  	[tilespmem:s7], [sflag:$0x2] =	stream.indirect_vreg.gather [hbm4b:s6+s3], $0x80, v2, vm0, $0xb8;
	[tilespmem:$0x10100] =	vst v63  }
0x50: {  	s9 =	simm.s32 $0xA100;
	[dreg:$0xa] =	wrdreg s29;
	s10 =	sadd.s32 $0x500, s14  }
0x51: {  	[tilespmem:s9], [sflag:$0x2] =	stream.indirect_vreg.gather [hbm4b:s8+s3], $0x80, v2, vm0, $0xb8;
	[tilespmem:$0x10100] =	vst v63  }
0x52: {  	[dreg:$0xe] =	wrdreg s10;
	s11 =	simm.s32 $0xA900;
	s12 =	sadd.s32 $0x600, s14  }
0x53: {  	[tilespmem:s11], [sflag:$0x2] =	stream.indirect_vreg.gather [hbm4b:s10+s3], $0x80, v2, vm0, $0xb8;
	[tilespmem:$0x10100] =	vst v63  }
0x54: {  	[dreg:$0xf] =	wrdreg s12;
	s13 =	simm.s32 $0xB100;
	s29 =	sadd.s32 $0x700, s14  }
0x55: {  	[tilespmem:s13], [sflag:$0x2] =	stream.indirect_vreg.gather [hbm4b:s12+s3], $0x80, v2, vm0, $0xb8;
	[tilespmem:$0x10100] =	vst v63  }
0x56: {  	s31 =	simm.s32 $0xB900;
	[dreg:$0x10] =	wrdreg s29;
	s1 =	sadd.s32 $0x800, s14  }
0x57: {  	[tilespmem:s31], [sflag:$0x2] =	stream.indirect_vreg.gather [hbm4b:s29+s3], $0x80, v2, vm0, $0xb8;
	[tilespmem:$0x10100] =	vst v63  }
0x58: {  	s5 =	simm.s32 $0xC100;
	[dreg:$0x11] =	wrdreg s1;
	s6 =	sadd.s32 $0x900, s14  }
0x59: {  	[tilespmem:s5], [sflag:$0x2] =	stream.indirect_vreg.gather [hbm4b:s1+s3], $0x80, v2, vm0, $0xb8;
	[tilespmem:$0x10100] =	vst v63  }
0x5a: {  	s7 =	simm.s32 $0xC900;
	[dreg:$0x12] =	wrdreg s6;
	s8 =	sadd.s32 $0xA00, s14  }
0x5b: {  	[tilespmem:s7], [sflag:$0x2] =	stream.indirect_vreg.gather [hbm4b:s6+s3], $0x80, v2, vm0, $0xb8;
	[tilespmem:$0x10100] =	vst v63  }
0x5c: {  	s9 =	simm.s32 $0xD100;
	[dreg:$0x13] =	wrdreg s8;
	s10 =	sadd.s32 $0xB00, s14  }
0x5d: {  	[tilespmem:s9], [sflag:$0x2] =	stream.indirect_vreg.gather [hbm4b:s8+s3], $0x80, v2, vm0, $0xb8;
	[tilespmem:$0x10100] =	vst v63  }
0x5e: {  	s11 =	simm.s32 $0xD900;
	[dreg:$0x14] =	wrdreg s10;
	s12 =	simm.s32 $0xE100  }
0x5f: {  	[tilespmem:s11], [sflag:$0x2] =	stream.indirect_vreg.gather [hbm4b:s10+s3], $0x80, v2, vm0, $0xb8;
	[tilespmem:$0x10100] =	vst v63  }
0x60: {  	s13 =	simm.s32 $0xE900;
	s29 =	simm.s32 $0xF100;
	s8 =	sadd.s32 $0xC00, s14  }
0x61: {  	[tilespmem:s12], [sflag:$0x2] =	stream.indirect_vreg.gather [hbm4b:s8+s3], $0x80, v2, vm0, $0xb8;
	[tilespmem:$0x10100] =	vst v63  }
0x62: {  	s31 =	simm.s32 $0xF900;
	s5 =	simm.s32 $0x1;
	s9 =	sadd.s32 $0xD00, s14  }
0x63: {  	[tilespmem:s13], [sflag:$0x2] =	stream.indirect_vreg.gather [hbm4b:s9+s3], $0x80, v2, vm0, $0xb8;
	[tilespmem:$0x10100] =	vst v63  }
0x64: {  	s6 =	simm.s32 $0x3;
	s7 =	simm.s32 $0x2;
	s10 =	sadd.s32 $0xE00, s14  }
0x65: {  	[tilespmem:s29], [sflag:$0x2] =	stream.indirect_vreg.gather [hbm4b:s10+s3], $0x80, v2, vm0, $0xb8;
	[tilespmem:$0x10100] =	vst v63  }
0x66: {  	s11 =	sadd.s32 $0xF00, s14;
	s12 =	simm.s32 $0x20;
	s13 =	rddreg [dreg:$0x5]  }
0x67: {  	[tilespmem:s31], [sflag:$0x2] =	stream.indirect_vreg.gather [hbm4b:s11+s3], $0x80, v2, vm0, $0xb8;
	[tilespmem:$0x10100] =	vst v63  }
.LBB2_2:
0x68: {  	_ =	swait.ge [sflag:s5], $0x8000  }
0x69: {  	[sflag:s5] =	ssyncset.done $0x0  }
0x6a: {  	s29 =	simm.s32 $0x100;
	[sflag:s5] =	ssyncadd.s32 $0xFFFF8000  }
0x6b: {  	[hbm4b:s13+s3] =	stream.linear.scatter [tilespmem:s29], [sflag:$0x3], $0x8000, $0x38;
	[tilespmem:$0x10100] =	vst v63  }
0x6c: {  	_ =	swait.ge [sflag:s6], $0x8000  }
0x6d: {  	[sflag:s6] =	ssyncset.done $0x0  }
0x6e: {  	s31 =	smov.u32 s14;
	s14 =	sshra.s32 s12, $0x2;
	[sflag:s6] =	ssyncadd.s32 $0xFFFF8000  }
0x6f: {  	v2 =	vld.msk [tilespmem:s14+$0x0], $0xff;
	_ =	sdelay $0x4  }
0x70: {  	v3 =	vshll.u32 v2, $0x6  }
0x71: {  	v2 =	vand.u32 $0x7, v2;
	v3 =	vand.u32 $0xFFFFFE00, v3  }
0x72: {  	v2 =	vor.u32 v2, v3  }
0x73: {  	v2 =	vperm.xlane v2, v0;
	_ =	sdelay $0x1  }
0x74: {  	v2 =	vadd.s32 v1, v2;
	_ =	sdelay $0x4  }
0x75: {  	[tilespmem:s29], [sflag:$0x1] =	stream.indirect_vreg.gather [hbm4b:s15+s3], $0x80, v2, vm0, $0xb8;
	[tilespmem:$0x10100] =	vst v63  }
0x76: {  	s0 =	simm.s32 $0x900  }
0x77: {  	[tilespmem:s0], [sflag:$0x1] =	stream.indirect_vreg.gather [hbm4b:s16+s3], $0x80, v2, vm0, $0xb8;
	[tilespmem:$0x10100] =	vst v63  }
0x78: {  	s29 =	simm.s32 $0x1100  }
0x79: {  	[tilespmem:s29], [sflag:$0x1] =	stream.indirect_vreg.gather [hbm4b:s17+s3], $0x80, v2, vm0, $0xb8;
	[tilespmem:$0x10100] =	vst v63  }
0x7a: {  	s29 =	simm.s32 $0x1900  }
0x7b: {  	[tilespmem:s29], [sflag:$0x1] =	stream.indirect_vreg.gather [hbm4b:s18+s3], $0x80, v2, vm0, $0xb8;
	[tilespmem:$0x10100] =	vst v63  }
0x7c: {  	s29 =	simm.s32 $0x2100  }
0x7d: {  	[tilespmem:s29], [sflag:$0x1] =	stream.indirect_vreg.gather [hbm4b:s19+s3], $0x80, v2, vm0, $0xb8;
	[tilespmem:$0x10100] =	vst v63  }
0x7e: {  	s29 =	simm.s32 $0x2900  }
0x7f: {  	[tilespmem:s29], [sflag:$0x1] =	stream.indirect_vreg.gather [hbm4b:s26+s3], $0x80, v2, vm0, $0xb8;
	[tilespmem:$0x10100] =	vst v63  }
0x80: {  	s29 =	simm.s32 $0x3100  }
0x81: {  	[tilespmem:s29], [sflag:$0x1] =	stream.indirect_vreg.gather [hbm4b:s30+s3], $0x80, v2, vm0, $0xb8;
	[tilespmem:$0x10100] =	vst v63  }
0x82: {  	s29 =	simm.s32 $0x3900  }
0x83: {  	[tilespmem:s29], [sflag:$0x1] =	stream.indirect_vreg.gather [hbm4b:s21+s3], $0x80, v2, vm0, $0xb8;
	[tilespmem:$0x10100] =	vst v63  }
0x84: {  	s29 =	simm.s32 $0x4100  }
0x85: {  	[tilespmem:s29], [sflag:$0x1] =	stream.indirect_vreg.gather [hbm4b:s4+s3], $0x80, v2, vm0, $0xb8;
	[tilespmem:$0x10100] =	vst v63  }
0x86: {  	s29 =	simm.s32 $0x4900  }
0x87: {  	[tilespmem:s29], [sflag:$0x1] =	stream.indirect_vreg.gather [hbm4b:s22+s3], $0x80, v2, vm0, $0xb8;
	[tilespmem:$0x10100] =	vst v63  }
0x88: {  	s29 =	simm.s32 $0x5100  }
0x89: {  	[tilespmem:s29], [sflag:$0x1] =	stream.indirect_vreg.gather [hbm4b:s23+s3], $0x80, v2, vm0, $0xb8;
	[tilespmem:$0x10100] =	vst v63  }
0x8a: {  	s29 =	simm.s32 $0x5900  }
0x8b: {  	[tilespmem:s29], [sflag:$0x1] =	stream.indirect_vreg.gather [hbm4b:s24+s3], $0x80, v2, vm0, $0xb8;
	[tilespmem:$0x10100] =	vst v63  }
0x8c: {  	s29 =	simm.s32 $0x6100  }
0x8d: {  	[tilespmem:s29], [sflag:$0x1] =	stream.indirect_vreg.gather [hbm4b:s20+s3], $0x80, v2, vm0, $0xb8;
	[tilespmem:$0x10100] =	vst v63  }
0x8e: {  	s29 =	simm.s32 $0x6900  }
0x8f: {  	[tilespmem:s29], [sflag:$0x1] =	stream.indirect_vreg.gather [hbm4b:s25+s3], $0x80, v2, vm0, $0xb8;
	[tilespmem:$0x10100] =	vst v63  }
0x90: {  	s29 =	simm.s32 $0x7100  }
0x91: {  	[tilespmem:s29], [sflag:$0x1] =	stream.indirect_vreg.gather [hbm4b:s2+s3], $0x80, v2, vm0, $0xb8;
	[tilespmem:$0x10100] =	vst v63  }
0x92: {  	s29 =	simm.s32 $0x7900  }
0x93: {  	[tilespmem:s29], [sflag:$0x1] =	stream.indirect_vreg.gather [hbm4b:s28+s3], $0x80, v2, vm0, $0xb8;
	[tilespmem:$0x10100] =	vst v63  }
0x94: {  	s0 =	simm.s32 $0x8100;
	s29 =	smov.u32 s28;
	s28 =	smov.u32 s2  }
0x95: {  	s2 =	smov.u32 s25;
	s25 =	smov.u32 s20;
	s20 =	smov.u32 s24  }
0x96: {  	s24 =	smov.u32 s23;
	s23 =	smov.u32 s22;
	s22 =	smov.u32 s4  }
0x97: {  	s4 =	smov.u32 s21;
	s21 =	smov.u32 s30;
	s30 =	smov.u32 s26  }
0x98: {  	s26 =	smov.u32 s19;
	s19 =	smov.u32 s18;
	_ =	swait.ge [sflag:s7], $0x8000  }
0x99: {  	s18 =	smov.u32 s17;
	s17 =	smov.u32 s16;
	[sflag:s7] =	ssyncset.done $0x0  }
0x9a: {  	s16 =	smov.u32 s15;
	s15 =	sadd.s32 $0x1000, s13;
	[sflag:s7] =	ssyncadd.s32 $0xFFFF8000  }
0x9b: {  	[hbm4b:s15+s3] =	stream.linear.scatter [tilespmem:s0], [sflag:$0x4], $0x8000, $0x38;
	[tilespmem:$0x10100] =	vst v63  }
0x9c: {  	s15 =	smov.u32 s16;
	s16 =	smov.u32 s17  }
0x9d: {  	s17 =	smov.u32 s18;
	s18 =	smov.u32 s19;
	s19 =	smov.u32 s26  }
0x9e: {  	s26 =	smov.u32 s30;
	s30 =	smov.u32 s21;
	s21 =	smov.u32 s4  }
0x9f: {  	s4 =	smov.u32 s22;
	s22 =	smov.u32 s23;
	s23 =	smov.u32 s24  }
0xa0: {  	s24 =	smov.u32 s20;
	s20 =	smov.u32 s25;
	s25 =	smov.u32 s2  }
0xa1: {  	s2 =	smov.u32 s28;
	s28 =	smov.u32 s29;
	s29 =	simm.s32 $0x4  }
0xa2: {  	_ =	swait.ge [sflag:s29], $0x8000  }
0xa3: {  	[sflag:s29] =	ssyncset.done $0x0  }
0xa4: {  	[sflag:s29] =	ssyncadd.s32 $0xFFFF8000  }
0xa5: {  	v2 =	vld.msk [tilespmem:s14+$0x0], $0xff;
	_ =	sdelay $0x4  }
0xa6: {  	v3 =	vshll.u32 v2, $0x6  }
0xa7: {  	v2 =	vand.u32 $0x7, v2;
	v3 =	vand.u32 $0xFFFFFE00, v3  }
0xa8: {  	v2 =	vor.u32 v2, v3  }
0xa9: {  	v2 =	vperm.xlane v2, v0;
	_ =	sdelay $0x1  }
0xaa: {  	v2 =	vadd.s32 v1, v2;
	_ =	sdelay $0x3  }
0xab: {  	s14 =	smov.u32 s31  }
0xac: {  	[tilespmem:s0], [sflag:$0x2] =	stream.indirect_vreg.gather [hbm4b:s14+s3], $0x80, v2, vm0, $0xb8;
	[tilespmem:$0x10100] =	vst v63  }
0xad: {  	s29 =	simm.s32 $0x8900;
	s0 =	rddreg [dreg:$0xa]  }
0xae: {  	[tilespmem:s29], [sflag:$0x2] =	stream.indirect_vreg.gather [hbm4b:s0+s3], $0x80, v2, vm0, $0xb8;
	[tilespmem:$0x10100] =	vst v63  }
0xaf: {  	s0 =	rddreg [dreg:$0xb];
	s29 =	simm.s32 $0x9100  }
0xb0: {  	[tilespmem:s29], [sflag:$0x2] =	stream.indirect_vreg.gather [hbm4b:s0+s3], $0x80, v2, vm0, $0xb8;
	[tilespmem:$0x10100] =	vst v63  }
0xb1: {  	s0 =	rddreg [dreg:$0xc];
	s29 =	simm.s32 $0x9900  }
0xb2: {  	[tilespmem:s29], [sflag:$0x2] =	stream.indirect_vreg.gather [hbm4b:s0+s3], $0x80, v2, vm0, $0xb8;
	[tilespmem:$0x10100] =	vst v63  }
0xb3: {  	s0 =	rddreg [dreg:$0xd];
	s29 =	simm.s32 $0xA100  }
0xb4: {  	[tilespmem:s29], [sflag:$0x2] =	stream.indirect_vreg.gather [hbm4b:s0+s3], $0x80, v2, vm0, $0xb8;
	[tilespmem:$0x10100] =	vst v63  }
0xb5: {  	s0 =	rddreg [dreg:$0xe];
	s29 =	simm.s32 $0xA900  }
0xb6: {  	[tilespmem:s29], [sflag:$0x2] =	stream.indirect_vreg.gather [hbm4b:s0+s3], $0x80, v2, vm0, $0xb8;
	[tilespmem:$0x10100] =	vst v63  }
0xb7: {  	s0 =	rddreg [dreg:$0xf];
	s29 =	simm.s32 $0xB100  }
0xb8: {  	[tilespmem:s29], [sflag:$0x2] =	stream.indirect_vreg.gather [hbm4b:s0+s3], $0x80, v2, vm0, $0xb8;
	[tilespmem:$0x10100] =	vst v63  }
0xb9: {  	s0 =	rddreg [dreg:$0x10];
	s29 =	simm.s32 $0xB900  }
0xba: {  	[tilespmem:s29], [sflag:$0x2] =	stream.indirect_vreg.gather [hbm4b:s0+s3], $0x80, v2, vm0, $0xb8;
	[tilespmem:$0x10100] =	vst v63  }
0xbb: {  	s0 =	rddreg [dreg:$0x11];
	s29 =	simm.s32 $0xC100  }
0xbc: {  	[tilespmem:s29], [sflag:$0x2] =	stream.indirect_vreg.gather [hbm4b:s0+s3], $0x80, v2, vm0, $0xb8;
	[tilespmem:$0x10100] =	vst v63  }
0xbd: {  	s0 =	rddreg [dreg:$0x12];
	s29 =	simm.s32 $0xC900  }
0xbe: {  	[tilespmem:s29], [sflag:$0x2] =	stream.indirect_vreg.gather [hbm4b:s0+s3], $0x80, v2, vm0, $0xb8;
	[tilespmem:$0x10100] =	vst v63  }
0xbf: {  	s0 =	rddreg [dreg:$0x13];
	s29 =	simm.s32 $0xD100  }
0xc0: {  	[tilespmem:s29], [sflag:$0x2] =	stream.indirect_vreg.gather [hbm4b:s0+s3], $0x80, v2, vm0, $0xb8;
	[tilespmem:$0x10100] =	vst v63  }
0xc1: {  	s0 =	rddreg [dreg:$0x14];
	s29 =	simm.s32 $0xD900  }
0xc2: {  	[tilespmem:s29], [sflag:$0x2] =	stream.indirect_vreg.gather [hbm4b:s0+s3], $0x80, v2, vm0, $0xb8;
	[tilespmem:$0x10100] =	vst v63  }
0xc3: {  	s29 =	simm.s32 $0xE100  }
0xc4: {  	[tilespmem:s29], [sflag:$0x2] =	stream.indirect_vreg.gather [hbm4b:s8+s3], $0x80, v2, vm0, $0xb8;
	[tilespmem:$0x10100] =	vst v63  }
0xc5: {  	p0 =	sne.s32 s12, $0x3E0;
	s29 =	simm.s32 $0xE900  }
0xc6: {  	[tilespmem:s29], [sflag:$0x2] =	stream.indirect_vreg.gather [hbm4b:s9+s3], $0x80, v2, vm0, $0xb8;
	[tilespmem:$0x10100] =	vst v63  }
.Ltmp0:
0xc7: {  	_ = 	snop;
	(pc) =	sbr.rel @p0 .LBB2_2-.Ltmp0, $4  }
0xc8: {  	s1 =	simm.s32 $0x100;
	s12 =	sadd.s32 $0x20, s12;
	s29 =	simm.s32 $0xF100  }
0xc9: {  	[tilespmem:s29], [sflag:$0x2] =	stream.indirect_vreg.gather [hbm4b:s10+s3], $0x80, v2, vm0, $0xb8;
	[tilespmem:$0x10100] =	vst v63  }
0xca: {  	s13 =	sadd.s32 $0x2000, s13;
	s31 =	simm.s32 $0x8100;
	s29 =	simm.s32 $0xF900  }
0xcb: {  	[tilespmem:s29], [sflag:$0x2] =	stream.indirect_vreg.gather [hbm4b:s11+s3], $0x80, v2, vm0, $0xb8;
	[tilespmem:$0x10100] =	vst v63  }
0xcc: {  	_ =	swait.ge [sflag:s5], $0x8000  }
0xcd: {  	[sflag:s5] =	ssyncset.done $0x0  }
0xce: {  	s0 =	rddreg [dreg:$0x6];
	[sflag:s5] =	ssyncadd.s32 $0xFFFF8000  }
0xcf: {  	[hbm4b:s0+s3] =	stream.linear.scatter [tilespmem:s1], [sflag:$0x3], $0x8000, $0x38;
	[tilespmem:$0x10100] =	vst v63  }
0xd0: {  	_ =	swait.ge [sflag:s6], $0x8000  }
0xd1: {  	[sflag:s6] =	ssyncset.done $0x0  }
0xd2: {  	[sflag:s6] =	ssyncadd.s32 $0xFFFF8000  }
0xd3: {  	_ =	swait.ge [sflag:s7], $0x8000  }
0xd4: {  	[sflag:s7] =	ssyncset.done $0x0  }
0xd5: {  	s11 =	simm.s32 $0x4;
	s10 =	rddreg [dreg:$0x7];
	[sflag:s7] =	ssyncadd.s32 $0xFFFF8000  }
0xd6: {  	[hbm4b:s10+s3] =	stream.linear.scatter [tilespmem:s31], [sflag:$0x4], $0x8000, $0x38;
	[tilespmem:$0x10100] =	vst v63  }
0xd7: {  	_ =	swait.ge [sflag:s11], $0x8000  }
0xd8: {  	s12 =	rddreg [dreg:$0x9]  }
0xd9: {  	s13 =	rddreg [dreg:$0x8];
	s5 =	sadd.s32 $0x1, s12  }
0xda: {  	p0 =	sne.s32 s5, s13  }
.Ltmp1:
0xdb: {  	s8 =	simm.s32 $0x2100;
	(pc) =	sbr.rel @p0 .LBB2_1-.Ltmp1, $4  }
0xdc: {  	s9 =	simm.s32 $0x2900;
	s29 =	simm.s32 $0x5100;
	s6 =	simm.s32 $0x1100  }
0xdd: {  	s7 =	simm.s32 $0x1900;
	s10 =	simm.s32 $0x3100;
	[sflag:s11] =	ssyncset.done $0x0  }
0xde: {  	[sflag:s11] =	ssyncadd.s32 $0xFFFF8000;
	s11 =	simm.s32 $0x3900;
	s12 =	simm.s32 $0x4100  }
0xdf: {  	[dreg:$0x9] =	wrdreg s5;
	s13 =	simm.s32 $0x4900;
	s5 =	simm.s32 $0x5900  }
0xe0: {  	_ =	sfence.sel $0x180000  }
0xe1: {  	[bflag:$0x0] =	sbarrier.arrive $0xFFFF  }
0xe2: {  	_ =	strace $0x90000047  }
0xe3: {  	s0 =	stileid.u32;
	[bflag:$0x2] =	sbarrier.arrive $0xFFFF  }
0xe4: {  	p0 =	sne.s32 s0, $0x0;
	s0 =	rddreg [dreg:$0x3]  }
0xe5: {  	s0 =	sadd.s32 @!p0 $0x100000, s0  }
0xe6: {  	[sflag:s0] =	ssyncadd.tile.s32 @!p0 $0x1;
	_ =	shalt  }
.Lfunc_end2:
_tile_overlayer_lowered:
.L_overlay_start_2:
0xe7: {  	(tag) =	ssettag $0x2  }
0xe8: {  	s0 =	rddreg [dreg:$0x0];
	s2 =	stileid.u32  }
0xe9: {  	s1 =	rddreg [dreg:$0x1];
	p0 =	sne.s32 s2, $0x0  }
0xea: {  	s3 =	rddreg [dreg:$0x2];
	[bflag:$0x3] =	sbarrier.arrive $0xFFFF;
	s2 =	simm.s32 @!p0 $0x1C05  }
0xeb: {  	[timem:s3], [sflag:s2] =	dma.local @!p0 [hbm:s0], s1  }
0xec: {  	s0 =	simm.s32 @!p0 $0x5  }
0xed: {  	_ =	swait.ge @!p0 [sflag:s0], s1  }
0xee: {  	s1 =	ssub.s32 @!p0 $0x0, s1;
	[sflag:s0] =	ssyncset.done @!p0 $0x0  }
0xef: {  	[sflag:s0] =	ssyncadd.s32 @!p0 s1  }
0xf0: {  	[bflag:$0x3] =	sbarrier.arrive $0xFFFF  }
0xf1: {  	_ =	shalt  }

</sc_bundles>
